<compile_context>
chip_gen: v7x
topology: tpu7x:2x2x1
jax: 0.10.2.dev20260603
libtpu: 0.0.44.dev20260713+nightly
codegen_flags: <defaults>
</compile_context>

<pallas_src>
import functools

import jax
import jax.numpy as jnp
from jax import lax
from jax.experimental import pallas as pl
from jax.experimental.pallas import tpu as pltpu
from jax.experimental.pallas import tpu_sc as plsc

N_CAT = 32
N_INT = 32
KEY_EMBED = 128
VAL_EMBED = 128
EMBED = KEY_EMBED + VAL_EMBED
L = 16


def _body(cat_idx_hbm, int_values_hbm, cat_flat_hbm, int_key_hbm, w_hbm,
          b_hbm, out_hbm, idx_v, gbuf_v, vbuf_v, w_v, b_v, val_v, sem):
    wid = lax.axis_index("s")

    @pl.when(wid < 2)
    def _cat():
        base = wid * L
        pltpu.sync_copy(cat_idx_hbm.at[pl.ds(base, L)], idx_v)
        rowidx = (jax.lax.iota(jnp.int32, L) + base) * 3 + idx_v[...]
        pltpu.async_copy(cat_flat_hbm.at[rowidx], gbuf_v, sem).wait()
        pltpu.sync_copy(gbuf_v, out_hbm.at[pl.ds(base, L)])

    R = 8

    @pl.when(jnp.logical_and(wid >= 2, wid < 6))
    def _int():
        j0 = (wid - 2) * R
        cw = pltpu.async_copy(w_hbm.at[pl.ds(j0, R)], w_v, sem)
        cb = pltpu.async_copy(b_hbm.at[pl.ds(j0, R)], b_v, sem)
        cv = pltpu.async_copy(int_values_hbm.at[pl.ds(j0, R)],
                              val_v.at[pl.ds(0, R)], sem)
        cw.wait()
        cb.wait()
        cv.wait()
        vals = val_v[...]

        def _row(r, carry):
            vvec = vals[jnp.full((L,), r, jnp.int32)]
            for c in range(VAL_EMBED // L):
                sl = pl.ds(c * L, L)
                vbuf_v[r, sl] = vvec * w_v[r, sl] + b_v[r, sl]
            return carry

        lax.fori_loop(0, R, _row, 0)
        pltpu.sync_copy(
            vbuf_v, out_hbm.at[pl.ds(N_CAT + j0, R), pl.ds(KEY_EMBED, VAL_EMBED)])

    @pl.when(wid == 6)
    def _key():
        pltpu.sync_copy(
            int_key_hbm, out_hbm.at[pl.ds(N_CAT, N_INT), pl.ds(0, KEY_EMBED)])


@functools.partial(
    pl.kernel,
    out_type=jax.ShapeDtypeStruct((N_CAT + N_INT, EMBED), jnp.float32),
    mesh=plsc.VectorSubcoreMesh(core_axis_name="c", subcore_axis_name="s",
                                num_cores=1, num_subcores=8),
    scratch_types=[
        pltpu.VMEM((L,), jnp.int32),
        pltpu.VMEM((L, EMBED), jnp.float32),
        pltpu.VMEM((8, VAL_EMBED), jnp.float32),
        pltpu.VMEM((8, VAL_EMBED), jnp.float32),
        pltpu.VMEM((8, VAL_EMBED), jnp.float32),
        pltpu.VMEM((L,), jnp.float32),
        pltpu.SemaphoreType.DMA,
    ],
)
def _sc_embed(*refs):
    _body(*refs)


def kernel(cat_indices, int_values, cat_table, int_key_table, W, b):
    cat_flat = cat_table.reshape(N_CAT * 3, EMBED)
    return _sc_embed(cat_indices.astype(jnp.int32), int_values, cat_flat,
                     int_key_table, W, b)

# --- scband reference (transcript-rebuilt; emitter-appended) ---
"""Pipeline reference for scband-key-val-embedder-82506321756805 (READ-ONLY COPY).

The authoritative reference and input builder live on the scoring server;
editing this copy changes nothing except your own understanding.
"""

import jax, jax.numpy as jnp
import numpy as np

N_CAT = 32
N_INT = 32
KEY_EMBED = 128
VAL_EMBED = 128
EMBED = KEY_EMBED + VAL_EMBED


def setup_inputs(seed: int = 0) -> dict:
    key = jax.random.key(seed)
    ks = jax.random.split(key, 6)
    # which categorical variant ('', 'off', 'flatten') each categorical pragma takes
    cat_indices = jax.random.randint(ks[0], (N_CAT,), 0, 3)
    # scaled integer pragma values: (int(item)-1)/mx_range, in [0, 1)
    int_values = jax.random.uniform(ks[1], (N_INT,), dtype=jnp.float32)
    # kaiming_uniform_ with a=sqrt(5) on an (size, 1) tensor: fan_in=1,
    # gain=sqrt(2/(1+5))=sqrt(1/3), bound=gain*sqrt(3/fan_in)=1 -> U(-1, 1)
    cat_table = jax.random.uniform(ks[2], (N_CAT, 3, EMBED), minval=-1.0, maxval=1.0, dtype=jnp.float32)
    int_key_table = jax.random.uniform(ks[3], (N_INT, KEY_EMBED), minval=-1.0, maxval=1.0, dtype=jnp.float32)
    # per-pragma nn.Linear(1, VAL_EMBED): weight [VAL_EMBED, 1] -> stored as [N_INT, VAL_EMBED]
    W = jax.random.uniform(ks[4], (N_INT, VAL_EMBED), minval=-1.0, maxval=1.0, dtype=jnp.float32)
    b = jax.random.uniform(ks[5], (N_INT, VAL_EMBED), minval=-1.0, maxval=1.0, dtype=jnp.float32)
    return {"cat_indices": cat_indices, "int_values": int_values,
            "cat_table": cat_table, "int_key_table": int_key_table,
            "W": W, "b": b}


def reference(cat_indices, int_values, cat_table, int_key_table, W, b):
    # categorical lookup: embeddings[f'{key}_{item}'].squeeze()
    cat_emb = jnp.take_along_axis(cat_table, cat_indices[:, None, None], axis=1).squeeze(1)  # [N_CAT, EMBED]
    # integer pragmas: value_embedding = Linear(1, VAL)(scaled_value)
    val_emb = int_values[:, None] * W + b  # [N_INT, VAL_EMBED]
    # full_embedding = cat([key_embedding, value_embedding])
    int_emb = jnp.concatenate([int_key_table, val_emb], axis=1)  # [N_INT, EMBED]
    # torch.stack over all dict entries in order (categoricals, then integers)
    return jnp.concatenate([cat_emb, int_emb], axis=0)  # [N_CAT + N_INT, EMBED]

if __name__ == "__main__":
    import jax
    _d = setup_inputs()
    print(jax.jit(kernel)(*tuple(_d.values())))

</pallas_src>

<mosaic_0001>
#map = affine_map<(d0, d1) -> (0)>
#map1 = affine_map<(d0, d1) -> (0, 0)>
module attributes {stable_mosaic.version = 14 : i64} {
  func.func @_sc_embed(%arg0: i32, %arg1: i32, %arg2: memref<32xi32, #tpu.memory_space<hbm>>, %arg3: memref<32xf32, #tpu.memory_space<hbm>>, %arg4: memref<96x256xf32, #tpu.memory_space<hbm>>, %arg5: memref<32x128xf32, #tpu.memory_space<hbm>>, %arg6: memref<32x128xf32, #tpu.memory_space<hbm>>, %arg7: memref<32x128xf32, #tpu.memory_space<hbm>>, %arg8: memref<64x256xf32, #tpu.memory_space<hbm>>, %arg9: memref<16xi32, #tpu.memory_space<vmem>>, %arg10: memref<16x256xf32, #tpu.memory_space<vmem>>, %arg11: memref<8x128xf32, #tpu.memory_space<vmem>>, %arg12: memref<8x128xf32, #tpu.memory_space<vmem>>, %arg13: memref<8x128xf32, #tpu.memory_space<vmem>>, %arg14: memref<16xf32, #tpu.memory_space<vmem>>, %arg15: memref<!tpu.dma_semaphore, #tpu.memory_space<semaphore_mem>>) attributes {dimension_semantics = [#tpu.dimension_semantics<core_parallel>, #tpu.dimension_semantics<subcore_parallel>], iteration_bounds = array<i64: 1, 8>, scalar_prefetch = 0 : i64, scratch_operands = 7 : i64, tpu.core_type = #tpu.core_type<sc_vector_subcore>, window_params = [{transform_indices = #map}, {transform_indices = #map}, {transform_indices = #map1}, {transform_indices = #map1}, {transform_indices = #map1}, {transform_indices = #map1}, {transform_indices = #map1}]} {
    %lt3A = arith.constant 2 : i32
    %lt3A_0 = arith.cmpi slt, %arg1, %lt3A : i32
    %convert_element_type3A = arith.extui %lt3A_0 : i1 to i32
    %cond3A = arith.constant 0 : i32
    %cond3A_1 = arith.cmpi ne, %convert_element_type3A, %cond3A : i32
    scf.if %cond3A_1 {
      %mul3A = arith.constant 16 : i32
      %mul3A_12 = arith.muli %arg1, %mul3A : i32
      "tpu.region"() ({
        %run_scoped3A = tpu.sem_alloc : memref<!tpu.dma_semaphore, #tpu.memory_space<semaphore_mem>>
        %dma_start3A_24 = tpu.memref_slice %arg2[%mul3A_12] : memref<32xi32, #tpu.memory_space<hbm>> -> memref<16xi32, #tpu.memory_space<hbm>>
        %dma_start3A_25 = tpu.memref_slice %arg2[%mul3A_12] : memref<32xi32, #tpu.memory_space<hbm>> -> memref<16xi32, #tpu.memory_space<hbm>>
        tpu.enqueue_dma source(%dma_start3A_25 : memref<16xi32, #tpu.memory_space<hbm>>) target(%arg9 : memref<16xi32, #tpu.memory_space<vmem>>) target_semaphore(%run_scoped3A : memref<!tpu.dma_semaphore, #tpu.memory_space<semaphore_mem>>)
        %dma_wait3A_26 = tpu.memref_slice %arg2[%mul3A_12] : memref<32xi32, #tpu.memory_space<hbm>> -> memref<16xi32, #tpu.memory_space<hbm>>
        %dma_wait3A_27 = tpu.memref_slice %arg2[%mul3A_12] : memref<32xi32, #tpu.memory_space<hbm>> -> memref<16xi32, #tpu.memory_space<hbm>>
        tpu.wait_dma2 semaphore(%run_scoped3A : memref<!tpu.dma_semaphore, #tpu.memory_space<semaphore_mem>>) src(%dma_wait3A_27 : memref<16xi32, #tpu.memory_space<hbm>>) dst(%arg9 : memref<16xi32, #tpu.memory_space<vmem>>)
        tpu.yield
      }) : () -> ()
      %iota3A = tpu.iota {dimensions = array<i32: 0>} : vector<16xi32>
      %add3A = vector.broadcast %mul3A_12 : i32 to vector<16xi32>
      %add3A_13 = arith.addi %iota3A, %add3A : vector<16xi32>
      %mul3A_14 = arith.constant 3 : i32
      %mul3A_15 = vector.broadcast %mul3A_14 : i32 to vector<16xi32>
      %mul3A_16 = arith.muli %add3A_13, %mul3A_15 : vector<16xi32>
      %get3A = arith.constant 0 : index
      %get3A_17 = tpu.vector_load %arg9[%get3A] {strides = array<i32>} : memref<16xi32, #tpu.memory_space<vmem>>, vector<16xi32>,
      %get3A_18 = vector.shape_cast %get3A_17 : vector<16xi32> to vector<16xi32>
      %add3A_19 = arith.addi %mul3A_16, %get3A_18 : vector<16xi32>
      %dma_start3A = arith.constant 0 : i32
      %dma_start3A_20 = arith.constant 0 : i32
      %dma_start3A_21 = tpu.memref_slice %arg4[%dma_start3A, %dma_start3A_20] : memref<96x256xf32, #tpu.memory_space<hbm>> -> memref<96x256xf32, #tpu.memory_space<hbm>>
      tpu.enqueue_indirect_dma source(%dma_start3A_21 : memref<96x256xf32, #tpu.memory_space<hbm>>) target(%arg10 : memref<16x256xf32, #tpu.memory_space<vmem>>) offsets(%add3A_19 : vector<16xi32>) semaphore(%arg15 : memref<!tpu.dma_semaphore, #tpu.memory_space<semaphore_mem>>)
      %dma_wait3A = arith.constant 0 : i32
      %dma_wait3A_22 = arith.constant 0 : i32
      %dma_wait3A_23 = tpu.memref_slice %arg4[%dma_wait3A, %dma_wait3A_22] : memref<96x256xf32, #tpu.memory_space<hbm>> -> memref<96x256xf32, #tpu.memory_space<hbm>>
      tpu.wait_indirect_dma semaphore(%arg15 : memref<!tpu.dma_semaphore, #tpu.memory_space<semaphore_mem>>) src(%dma_wait3A_23 : memref<96x256xf32, #tpu.memory_space<hbm>>) dst(%arg10 : memref<16x256xf32, #tpu.memory_space<vmem>>)
      "tpu.region"() ({
        %run_scoped3A = tpu.sem_alloc : memref<!tpu.dma_semaphore, #tpu.memory_space<semaphore_mem>>
        %dma_start3A_24 = arith.constant 0 : i32
        %dma_start3A_25 = tpu.memref_slice %arg8[%mul3A_12, %dma_start3A_24] : memref<64x256xf32, #tpu.memory_space<hbm>> -> memref<16x256xf32, #tpu.memory_space<hbm>>
        %dma_start3A_26 = arith.constant 0 : i32
        %dma_start3A_27 = tpu.memref_slice %arg8[%mul3A_12, %dma_start3A_26] : memref<64x256xf32, #tpu.memory_space<hbm>> -> memref<16x256xf32, #tpu.memory_space<hbm>>
        tpu.enqueue_dma source(%arg10 : memref<16x256xf32, #tpu.memory_space<vmem>>) target(%dma_start3A_27 : memref<16x256xf32, #tpu.memory_space<hbm>>) target_semaphore(%run_scoped3A : memref<!tpu.dma_semaphore, #tpu.memory_space<semaphore_mem>>)
        %dma_wait3A_28 = arith.constant 0 : i32
        %dma_wait3A_29 = tpu.memref_slice %arg8[%mul3A_12, %dma_wait3A_28] : memref<64x256xf32, #tpu.memory_space<hbm>> -> memref<16x256xf32, #tpu.memory_space<hbm>>
        %dma_wait3A_30 = arith.constant 0 : i32
        %dma_wait3A_31 = tpu.memref_slice %arg8[%mul3A_12, %dma_wait3A_30] : memref<64x256xf32, #tpu.memory_space<hbm>> -> memref<16x256xf32, #tpu.memory_space<hbm>>
        tpu.wait_dma2 semaphore(%run_scoped3A : memref<!tpu.dma_semaphore, #tpu.memory_space<semaphore_mem>>) src(%arg10 : memref<16x256xf32, #tpu.memory_space<vmem>>) dst(%dma_wait3A_31 : memref<16x256xf32, #tpu.memory_space<hbm>>)
        tpu.yield
      }) : () -> ()
    } else {
    }
    %ge3A = arith.constant 2 : i32
    %ge3A_2 = arith.cmpi sge, %arg1, %ge3A : i32
    %lt3A_3 = arith.constant 6 : i32
    %lt3A_4 = arith.cmpi slt, %arg1, %lt3A_3 : i32
    %and3A = arith.andi %ge3A_2, %lt3A_4 : i1
    %convert_element_type3A_5 = arith.extui %and3A : i1 to i32
    %cond3A_6 = arith.constant 0 : i32
    %cond3A_7 = arith.cmpi ne, %convert_element_type3A_5, %cond3A_6 : i32
    scf.if %cond3A_7 {
      %sub3A = arith.constant 2 : i32
      %sub3A_12 = arith.subi %arg1, %sub3A : i32
      %mul3A = arith.constant 8 : i32
      %mul3A_13 = arith.muli %sub3A_12, %mul3A : i32
      %dma_start3A = arith.constant 0 : i32
      %dma_start3A_14 = tpu.memref_slice %arg6[%mul3A_13, %dma_start3A] : memref<32x128xf32, #tpu.memory_space<hbm>> -> memref<8x128xf32, #tpu.memory_space<hbm>>
      %dma_start3A_15 = arith.constant 0 : i32
      %dma_start3A_16 = tpu.memref_slice %arg6[%mul3A_13, %dma_start3A_15] : memref<32x128xf32, #tpu.memory_space<hbm>> -> memref<8x128xf32, #tpu.memory_space<hbm>>
      tpu.enqueue_dma source(%dma_start3A_16 : memref<8x128xf32, #tpu.memory_space<hbm>>) target(%arg12 : memref<8x128xf32, #tpu.memory_space<vmem>>) target_semaphore(%arg15 : memref<!tpu.dma_semaphore, #tpu.memory_space<semaphore_mem>>)
      %dma_start3A_17 = arith.constant 0 : i32
      %dma_start3A_18 = tpu.memref_slice %arg7[%mul3A_13, %dma_start3A_17] : memref<32x128xf32, #tpu.memory_space<hbm>> -> memref<8x128xf32, #tpu.memory_space<hbm>>
      %dma_start3A_19 = arith.constant 0 : i32
      %dma_start3A_20 = tpu.memref_slice %arg7[%mul3A_13, %dma_start3A_19] : memref<32x128xf32, #tpu.memory_space<hbm>> -> memref<8x128xf32, #tpu.memory_space<hbm>>
      tpu.enqueue_dma source(%dma_start3A_20 : memref<8x128xf32, #tpu.memory_space<hbm>>) target(%arg13 : memref<8x128xf32, #tpu.memory_space<vmem>>) target_semaphore(%arg15 : memref<!tpu.dma_semaphore, #tpu.memory_space<semaphore_mem>>)
      %dma_start3A_21 = arith.constant 0 : i32
      %dma_start3A_22 = tpu.memref_slice %arg14[%dma_start3A_21] : memref<16xf32, #tpu.memory_space<vmem>> -> memref<8xf32, #tpu.memory_space<vmem>>
      %dma_start3A_23 = tpu.memref_slice %arg3[%mul3A_13] : memref<32xf32, #tpu.memory_space<hbm>> -> memref<8xf32, #tpu.memory_space<hbm>>
      %dma_start3A_24 = arith.constant 0 : i32
      %dma_start3A_25 = tpu.memref_slice %arg14[%dma_start3A_24] : memref<16xf32, #tpu.memory_space<vmem>> -> memref<8xf32, #tpu.memory_space<vmem>>
      %dma_start3A_26 = tpu.memref_slice %arg3[%mul3A_13] : memref<32xf32, #tpu.memory_space<hbm>> -> memref<8xf32, #tpu.memory_space<hbm>>
      tpu.enqueue_dma source(%dma_start3A_26 : memref<8xf32, #tpu.memory_space<hbm>>) target(%dma_start3A_25 : memref<8xf32, #tpu.memory_space<vmem>>) target_semaphore(%arg15 : memref<!tpu.dma_semaphore, #tpu.memory_space<semaphore_mem>>)
      %dma_wait3A = arith.constant 0 : i32
      %dma_wait3A_27 = tpu.memref_slice %arg6[%mul3A_13, %dma_wait3A] : memref<32x128xf32, #tpu.memory_space<hbm>> -> memref<8x128xf32, #tpu.memory_space<hbm>>
      %dma_wait3A_28 = arith.constant 0 : i32
      %dma_wait3A_29 = tpu.memref_slice %arg6[%mul3A_13, %dma_wait3A_28] : memref<32x128xf32, #tpu.memory_space<hbm>> -> memref<8x128xf32, #tpu.memory_space<hbm>>
      tpu.wait_dma2 semaphore(%arg15 : memref<!tpu.dma_semaphore, #tpu.memory_space<semaphore_mem>>) src(%dma_wait3A_29 : memref<8x128xf32, #tpu.memory_space<hbm>>) dst(%arg12 : memref<8x128xf32, #tpu.memory_space<vmem>>)
      %dma_wait3A_30 = arith.constant 0 : i32
      %dma_wait3A_31 = tpu.memref_slice %arg7[%mul3A_13, %dma_wait3A_30] : memref<32x128xf32, #tpu.memory_space<hbm>> -> memref<8x128xf32, #tpu.memory_space<hbm>>
      %dma_wait3A_32 = arith.constant 0 : i32
      %dma_wait3A_33 = tpu.memref_slice %arg7[%mul3A_13, %dma_wait3A_32] : memref<32x128xf32, #tpu.memory_space<hbm>> -> memref<8x128xf32, #tpu.memory_space<hbm>>
      tpu.wait_dma2 semaphore(%arg15 : memref<!tpu.dma_semaphore, #tpu.memory_space<semaphore_mem>>) src(%dma_wait3A_33 : memref<8x128xf32, #tpu.memory_space<hbm>>) dst(%arg13 : memref<8x128xf32, #tpu.memory_space<vmem>>)
      %dma_wait3A_34 = arith.constant 0 : i32
      %dma_wait3A_35 = tpu.memref_slice %arg14[%dma_wait3A_34] : memref<16xf32, #tpu.memory_space<vmem>> -> memref<8xf32, #tpu.memory_space<vmem>>
      %dma_wait3A_36 = tpu.memref_slice %arg3[%mul3A_13] : memref<32xf32, #tpu.memory_space<hbm>> -> memref<8xf32, #tpu.memory_space<hbm>>
      %dma_wait3A_37 = arith.constant 0 : i32
      %dma_wait3A_38 = tpu.memref_slice %arg14[%dma_wait3A_37] : memref<16xf32, #tpu.memory_space<vmem>> -> memref<8xf32, #tpu.memory_space<vmem>>
      %dma_wait3A_39 = tpu.memref_slice %arg3[%mul3A_13] : memref<32xf32, #tpu.memory_space<hbm>> -> memref<8xf32, #tpu.memory_space<hbm>>
      tpu.wait_dma2 semaphore(%arg15 : memref<!tpu.dma_semaphore, #tpu.memory_space<semaphore_mem>>) src(%dma_wait3A_39 : memref<8xf32, #tpu.memory_space<hbm>>) dst(%dma_wait3A_38 : memref<8xf32, #tpu.memory_space<vmem>>)
      %get3A = arith.constant 0 : index
      %get3A_40 = tpu.vector_load %arg14[%get3A] {strides = array<i32>} : memref<16xf32, #tpu.memory_space<vmem>>, vector<16xf32>,
      %get3A_41 = vector.shape_cast %get3A_40 : vector<16xf32> to vector<16xf32>
      %scan3A = arith.constant 0 : i32
      %scan3A_42 = arith.constant 0 : i32
      %scan3A_43 = arith.constant 8 : i32
      %scan3A_44 = arith.addi %scan3A_42, %scan3A_43 : i32
      %scan3A_45 = arith.constant 1 : i32
      scf.for %scan3A_48 = %scan3A_42 to %scan3A_44 step %scan3A_45  : i32 {
        %broadcast_in_dim3A = vector.broadcast %scan3A_48 : i32 to vector<16xi32>
        %lt3A_49 = arith.constant 0 : i32
        %lt3A_50 = vector.broadcast %lt3A_49 : i32 to vector<16xi32>
        %lt3A_51 = arith.cmpi slt, %broadcast_in_dim3A, %lt3A_50 : vector<16xi32>
        %add3A_52 = arith.constant 16 : i32
        %add3A_53 = vector.broadcast %add3A_52 : i32 to vector<16xi32>
        %add3A_54 = arith.addi %broadcast_in_dim3A, %add3A_53 : vector<16xi32>
        %select_n3A = arith.select %lt3A_51, %add3A_54, %broadcast_in_dim3A : vector<16xi1>, vector<16xi32>
        %broadcast_in_dim3A_55 = vector.shape_cast %select_n3A : vector<16xi32> to vector<16x1xi32>
        %gather3A = vector.shape_cast %broadcast_in_dim3A_55 : vector<16x1xi32> to vector<16xi32>
        %gather3A_56 = tpu.dynamic_gather %get3A_41[%gather3A] in [0] : vector<16xf32>, vector<16xi32> -> vector<16xf32>
        %get3A_57 = arith.index_cast %scan3A_48 : i32 to index
        %get3A_58 = arith.constant 0 : index
        %get3A_59 = tpu.vector_load %arg12[%get3A_57, %get3A_58] {strides = array<i32>} : memref<8x128xf32, #tpu.memory_space<vmem>>, vector<1x16xf32>,
        %get3A_60 = vector.shape_cast %get3A_59 : vector<1x16xf32> to vector<16xf32>
        %mul3A_61 = arith.mulf %gather3A_56, %get3A_60 : vector<16xf32>
        %get3A_62 = arith.index_cast %scan3A_48 : i32 to index
        %get3A_63 = arith.constant 0 : index
        %get3A_64 = tpu.vector_load %arg13[%get3A_62, %get3A_63] {strides = array<i32>} : memref<8x128xf32, #tpu.memory_space<vmem>>, vector<1x16xf32>,
        %get3A_65 = vector.shape_cast %get3A_64 : vector<1x16xf32> to vector<16xf32>
        %add3A_66 = arith.addf %mul3A_61, %get3A_65 : vector<16xf32>
        %swap3A = arith.index_cast %scan3A_48 : i32 to index
        %swap3A_67 = arith.constant 0 : index
        %swap3A_68 = tpu.vector_load %arg11[%swap3A, %swap3A_67] {strides = array<i32>} : memref<8x128xf32, #tpu.memory_space<vmem>>, vector<1x16xf32>,
        %swap3A_69 = vector.shape_cast %swap3A_68 : vector<1x16xf32> to vector<16xf32>
        %swap3A_70 = vector.shape_cast %add3A_66 : vector<16xf32> to vector<1x16xf32>
        tpu.vector_store %arg11[%swap3A, %swap3A_67], %swap3A_70 {strides = array<i32>} : memref<8x128xf32, #tpu.memory_space<vmem>>, vector<1x16xf32>,
        %get3A_71 = arith.index_cast %scan3A_48 : i32 to index
        %get3A_72 = arith.constant 16 : index
        %get3A_73 = tpu.vector_load %arg12[%get3A_71, %get3A_72] {strides = array<i32>} : memref<8x128xf32, #tpu.memory_space<vmem>>, vector<1x16xf32>,
        %get3A_74 = vector.shape_cast %get3A_73 : vector<1x16xf32> to vector<16xf32>
        %mul3A_75 = arith.mulf %gather3A_56, %get3A_74 : vector<16xf32>
        %get3A_76 = arith.index_cast %scan3A_48 : i32 to index
        %get3A_77 = arith.constant 16 : index
        %get3A_78 = tpu.vector_load %arg13[%get3A_76, %get3A_77] {strides = array<i32>} : memref<8x128xf32, #tpu.memory_space<vmem>>, vector<1x16xf32>,
        %get3A_79 = vector.shape_cast %get3A_78 : vector<1x16xf32> to vector<16xf32>
        %add3A_80 = arith.addf %mul3A_75, %get3A_79 : vector<16xf32>
        %swap3A_81 = arith.index_cast %scan3A_48 : i32 to index
        %swap3A_82 = arith.constant 16 : index
        %swap3A_83 = tpu.vector_load %arg11[%swap3A_81, %swap3A_82] {strides = array<i32>} : memref<8x128xf32, #tpu.memory_space<vmem>>, vector<1x16xf32>,
        %swap3A_84 = vector.shape_cast %swap3A_83 : vector<1x16xf32> to vector<16xf32>
        %swap3A_85 = vector.shape_cast %add3A_80 : vector<16xf32> to vector<1x16xf32>
        tpu.vector_store %arg11[%swap3A_81, %swap3A_82], %swap3A_85 {strides = array<i32>} : memref<8x128xf32, #tpu.memory_space<vmem>>, vector<1x16xf32>,
        %get3A_86 = arith.index_cast %scan3A_48 : i32 to index
        %get3A_87 = arith.constant 32 : index
        %get3A_88 = tpu.vector_load %arg12[%get3A_86, %get3A_87] {strides = array<i32>} : memref<8x128xf32, #tpu.memory_space<vmem>>, vector<1x16xf32>,
        %get3A_89 = vector.shape_cast %get3A_88 : vector<1x16xf32> to vector<16xf32>
        %mul3A_90 = arith.mulf %gather3A_56, %get3A_89 : vector<16xf32>
        %get3A_91 = arith.index_cast %scan3A_48 : i32 to index
        %get3A_92 = arith.constant 32 : index
        %get3A_93 = tpu.vector_load %arg13[%get3A_91, %get3A_92] {strides = array<i32>} : memref<8x128xf32, #tpu.memory_space<vmem>>, vector<1x16xf32>,
        %get3A_94 = vector.shape_cast %get3A_93 : vector<1x16xf32> to vector<16xf32>
        %add3A_95 = arith.addf %mul3A_90, %get3A_94 : vector<16xf32>
        %swap3A_96 = arith.index_cast %scan3A_48 : i32 to index
        %swap3A_97 = arith.constant 32 : index
        %swap3A_98 = tpu.vector_load %arg11[%swap3A_96, %swap3A_97] {strides = array<i32>} : memref<8x128xf32, #tpu.memory_space<vmem>>, vector<1x16xf32>,
        %swap3A_99 = vector.shape_cast %swap3A_98 : vector<1x16xf32> to vector<16xf32>
        %swap3A_100 = vector.shape_cast %add3A_95 : vector<16xf32> to vector<1x16xf32>
        tpu.vector_store %arg11[%swap3A_96, %swap3A_97], %swap3A_100 {strides = array<i32>} : memref<8x128xf32, #tpu.memory_space<vmem>>, vector<1x16xf32>,
        %get3A_101 = arith.index_cast %scan3A_48 : i32 to index
        %get3A_102 = arith.constant 48 : index
        %get3A_103 = tpu.vector_load %arg12[%get3A_101, %get3A_102] {strides = array<i32>} : memref<8x128xf32, #tpu.memory_space<vmem>>, vector<1x16xf32>,
        %get3A_104 = vector.shape_cast %get3A_103 : vector<1x16xf32> to vector<16xf32>
        %mul3A_105 = arith.mulf %gather3A_56, %get3A_104 : vector<16xf32>
        %get3A_106 = arith.index_cast %scan3A_48 : i32 to index
        %get3A_107 = arith.constant 48 : index
        %get3A_108 = tpu.vector_load %arg13[%get3A_106, %get3A_107] {strides = array<i32>} : memref<8x128xf32, #tpu.memory_space<vmem>>, vector<1x16xf32>,
        %get3A_109 = vector.shape_cast %get3A_108 : vector<1x16xf32> to vector<16xf32>
        %add3A_110 = arith.addf %mul3A_105, %get3A_109 : vector<16xf32>
        %swap3A_111 = arith.index_cast %scan3A_48 : i32 to index
        %swap3A_112 = arith.constant 48 : index
        %swap3A_113 = tpu.vector_load %arg11[%swap3A_111, %swap3A_112] {strides = array<i32>} : memref<8x128xf32, #tpu.memory_space<vmem>>, vector<1x16xf32>,
        %swap3A_114 = vector.shape_cast %swap3A_113 : vector<1x16xf32> to vector<16xf32>
        %swap3A_115 = vector.shape_cast %add3A_110 : vector<16xf32> to vector<1x16xf32>
        tpu.vector_store %arg11[%swap3A_111, %swap3A_112], %swap3A_115 {strides = array<i32>} : memref<8x128xf32, #tpu.memory_space<vmem>>, vector<1x16xf32>,
        %get3A_116 = arith.index_cast %scan3A_48 : i32 to index
        %get3A_117 = arith.constant 64 : index
        %get3A_118 = tpu.vector_load %arg12[%get3A_116, %get3A_117] {strides = array<i32>} : memref<8x128xf32, #tpu.memory_space<vmem>>, vector<1x16xf32>,
        %get3A_119 = vector.shape_cast %get3A_118 : vector<1x16xf32> to vector<16xf32>
        %mul3A_120 = arith.mulf %gather3A_56, %get3A_119 : vector<16xf32>
        %get3A_121 = arith.index_cast %scan3A_48 : i32 to index
        %get3A_122 = arith.constant 64 : index
        %get3A_123 = tpu.vector_load %arg13[%get3A_121, %get3A_122] {strides = array<i32>} : memref<8x128xf32, #tpu.memory_space<vmem>>, vector<1x16xf32>,
        %get3A_124 = vector.shape_cast %get3A_123 : vector<1x16xf32> to vector<16xf32>
        %add3A_125 = arith.addf %mul3A_120, %get3A_124 : vector<16xf32>
        %swap3A_126 = arith.index_cast %scan3A_48 : i32 to index
        %swap3A_127 = arith.constant 64 : index
        %swap3A_128 = tpu.vector_load %arg11[%swap3A_126, %swap3A_127] {strides = array<i32>} : memref<8x128xf32, #tpu.memory_space<vmem>>, vector<1x16xf32>,
        %swap3A_129 = vector.shape_cast %swap3A_128 : vector<1x16xf32> to vector<16xf32>
        %swap3A_130 = vector.shape_cast %add3A_125 : vector<16xf32> to vector<1x16xf32>
        tpu.vector_store %arg11[%swap3A_126, %swap3A_127], %swap3A_130 {strides = array<i32>} : memref<8x128xf32, #tpu.memory_space<vmem>>, vector<1x16xf32>,
        %get3A_131 = arith.index_cast %scan3A_48 : i32 to index
        %get3A_132 = arith.constant 80 : index
        %get3A_133 = tpu.vector_load %arg12[%get3A_131, %get3A_132] {strides = array<i32>} : memref<8x128xf32, #tpu.memory_space<vmem>>, vector<1x16xf32>,
        %get3A_134 = vector.shape_cast %get3A_133 : vector<1x16xf32> to vector<16xf32>
        %mul3A_135 = arith.mulf %gather3A_56, %get3A_134 : vector<16xf32>
        %get3A_136 = arith.index_cast %scan3A_48 : i32 to index
        %get3A_137 = arith.constant 80 : index
        %get3A_138 = tpu.vector_load %arg13[%get3A_136, %get3A_137] {strides = array<i32>} : memref<8x128xf32, #tpu.memory_space<vmem>>, vector<1x16xf32>,
        %get3A_139 = vector.shape_cast %get3A_138 : vector<1x16xf32> to vector<16xf32>
        %add3A_140 = arith.addf %mul3A_135, %get3A_139 : vector<16xf32>
        %swap3A_141 = arith.index_cast %scan3A_48 : i32 to index
        %swap3A_142 = arith.constant 80 : index
        %swap3A_143 = tpu.vector_load %arg11[%swap3A_141, %swap3A_142] {strides = array<i32>} : memref<8x128xf32, #tpu.memory_space<vmem>>, vector<1x16xf32>,
        %swap3A_144 = vector.shape_cast %swap3A_143 : vector<1x16xf32> to vector<16xf32>
        %swap3A_145 = vector.shape_cast %add3A_140 : vector<16xf32> to vector<1x16xf32>
        tpu.vector_store %arg11[%swap3A_141, %swap3A_142], %swap3A_145 {strides = array<i32>} : memref<8x128xf32, #tpu.memory_space<vmem>>, vector<1x16xf32>,
        %get3A_146 = arith.index_cast %scan3A_48 : i32 to index
        %get3A_147 = arith.constant 96 : index
        %get3A_148 = tpu.vector_load %arg12[%get3A_146, %get3A_147] {strides = array<i32>} : memref<8x128xf32, #tpu.memory_space<vmem>>, vector<1x16xf32>,
        %get3A_149 = vector.shape_cast %get3A_148 : vector<1x16xf32> to vector<16xf32>
        %mul3A_150 = arith.mulf %gather3A_56, %get3A_149 : vector<16xf32>
        %get3A_151 = arith.index_cast %scan3A_48 : i32 to index
        %get3A_152 = arith.constant 96 : index
        %get3A_153 = tpu.vector_load %arg13[%get3A_151, %get3A_152] {strides = array<i32>} : memref<8x128xf32, #tpu.memory_space<vmem>>, vector<1x16xf32>,
        %get3A_154 = vector.shape_cast %get3A_153 : vector<1x16xf32> to vector<16xf32>
        %add3A_155 = arith.addf %mul3A_150, %get3A_154 : vector<16xf32>
        %swap3A_156 = arith.index_cast %scan3A_48 : i32 to index
        %swap3A_157 = arith.constant 96 : index
        %swap3A_158 = tpu.vector_load %arg11[%swap3A_156, %swap3A_157] {strides = array<i32>} : memref<8x128xf32, #tpu.memory_space<vmem>>, vector<1x16xf32>,
        %swap3A_159 = vector.shape_cast %swap3A_158 : vector<1x16xf32> to vector<16xf32>
        %swap3A_160 = vector.shape_cast %add3A_155 : vector<16xf32> to vector<1x16xf32>
        tpu.vector_store %arg11[%swap3A_156, %swap3A_157], %swap3A_160 {strides = array<i32>} : memref<8x128xf32, #tpu.memory_space<vmem>>, vector<1x16xf32>,
        %get3A_161 = arith.index_cast %scan3A_48 : i32 to index
        %get3A_162 = arith.constant 112 : index
        %get3A_163 = tpu.vector_load %arg12[%get3A_161, %get3A_162] {strides = array<i32>} : memref<8x128xf32, #tpu.memory_space<vmem>>, vector<1x16xf32>,
        %get3A_164 = vector.shape_cast %get3A_163 : vector<1x16xf32> to vector<16xf32>
        %mul3A_165 = arith.mulf %gather3A_56, %get3A_164 : vector<16xf32>
        %get3A_166 = arith.index_cast %scan3A_48 : i32 to index
        %get3A_167 = arith.constant 112 : index
        %get3A_168 = tpu.vector_load %arg13[%get3A_166, %get3A_167] {strides = array<i32>} : memref<8x128xf32, #tpu.memory_space<vmem>>, vector<1x16xf32>,
        %get3A_169 = vector.shape_cast %get3A_168 : vector<1x16xf32> to vector<16xf32>
        %add3A_170 = arith.addf %mul3A_165, %get3A_169 : vector<16xf32>
        %swap3A_171 = arith.index_cast %scan3A_48 : i32 to index
        %swap3A_172 = arith.constant 112 : index
        %swap3A_173 = tpu.vector_load %arg11[%swap3A_171, %swap3A_172] {strides = array<i32>} : memref<8x128xf32, #tpu.memory_space<vmem>>, vector<1x16xf32>,
        %swap3A_174 = vector.shape_cast %swap3A_173 : vector<1x16xf32> to vector<16xf32>
        %swap3A_175 = vector.shape_cast %add3A_170 : vector<16xf32> to vector<1x16xf32>
        tpu.vector_store %arg11[%swap3A_171, %swap3A_172], %swap3A_175 {strides = array<i32>} : memref<8x128xf32, #tpu.memory_space<vmem>>, vector<1x16xf32>,
      }
      %scan3A_46 = arith.constant 8 : i32
      %add3A = arith.constant 32 : i32
      %add3A_47 = arith.addi %add3A, %mul3A_13 : i32
      "tpu.region"() ({
        %run_scoped3A = tpu.sem_alloc : memref<!tpu.dma_semaphore, #tpu.memory_space<semaphore_mem>>
        %dma_start3A_48 = arith.constant 128 : i32
        %dma_start3A_49 = tpu.memref_slice %arg8[%add3A_47, %dma_start3A_48] : memref<64x256xf32, #tpu.memory_space<hbm>> -> memref<8x128xf32, #tpu.memory_space<hbm>>
        %dma_start3A_50 = arith.constant 128 : i32
        %dma_start3A_51 = tpu.memref_slice %arg8[%add3A_47, %dma_start3A_50] : memref<64x256xf32, #tpu.memory_space<hbm>> -> memref<8x128xf32, #tpu.memory_space<hbm>>
        tpu.enqueue_dma source(%arg11 : memref<8x128xf32, #tpu.memory_space<vmem>>) target(%dma_start3A_51 : memref<8x128xf32, #tpu.memory_space<hbm>>) target_semaphore(%run_scoped3A : memref<!tpu.dma_semaphore, #tpu.memory_space<semaphore_mem>>)
        %dma_wait3A_52 = arith.constant 128 : i32
        %dma_wait3A_53 = tpu.memref_slice %arg8[%add3A_47, %dma_wait3A_52] : memref<64x256xf32, #tpu.memory_space<hbm>> -> memref<8x128xf32, #tpu.memory_space<hbm>>
        %dma_wait3A_54 = arith.constant 128 : i32
        %dma_wait3A_55 = tpu.memref_slice %arg8[%add3A_47, %dma_wait3A_54] : memref<64x256xf32, #tpu.memory_space<hbm>> -> memref<8x128xf32, #tpu.memory_space<hbm>>
        tpu.wait_dma2 semaphore(%run_scoped3A : memref<!tpu.dma_semaphore, #tpu.memory_space<semaphore_mem>>) src(%arg11 : memref<8x128xf32, #tpu.memory_space<vmem>>) dst(%dma_wait3A_55 : memref<8x128xf32, #tpu.memory_space<hbm>>)
        tpu.yield
      }) : () -> ()
    } else {
    }
    %eq3A = arith.constant 6 : i32
    %eq3A_8 = arith.cmpi eq, %arg1, %eq3A : i32
    %convert_element_type3A_9 = arith.extui %eq3A_8 : i1 to i32
    %cond3A_10 = arith.constant 0 : i32
    %cond3A_11 = arith.cmpi ne, %convert_element_type3A_9, %cond3A_10 : i32
    scf.if %cond3A_11 {
      "tpu.region"() ({
        %run_scoped3A = tpu.sem_alloc : memref<!tpu.dma_semaphore, #tpu.memory_space<semaphore_mem>>
        %dma_start3A = arith.constant 32 : i32
        %dma_start3A_12 = arith.constant 0 : i32
        %dma_start3A_13 = tpu.memref_slice %arg8[%dma_start3A, %dma_start3A_12] : memref<64x256xf32, #tpu.memory_space<hbm>> -> memref<32x128xf32, #tpu.memory_space<hbm>>
        tpu.enqueue_dma source(%arg5 : memref<32x128xf32, #tpu.memory_space<hbm>>) target(%dma_start3A_13 : memref<32x128xf32, #tpu.memory_space<hbm>>) target_semaphore(%run_scoped3A : memref<!tpu.dma_semaphore, #tpu.memory_space<semaphore_mem>>)
        %dma_wait3A = arith.constant 32 : i32
        %dma_wait3A_14 = arith.constant 0 : i32
        %dma_wait3A_15 = tpu.memref_slice %arg8[%dma_wait3A, %dma_wait3A_14] : memref<64x256xf32, #tpu.memory_space<hbm>> -> memref<32x128xf32, #tpu.memory_space<hbm>>
        tpu.wait_dma2 semaphore(%run_scoped3A : memref<!tpu.dma_semaphore, #tpu.memory_space<semaphore_mem>>) src(%arg5 : memref<32x128xf32, #tpu.memory_space<hbm>>) dst(%dma_wait3A_15 : memref<32x128xf32, #tpu.memory_space<hbm>>)
        tpu.yield
      }) : () -> ()
    } else {
    }
    return
  }
}

</mosaic_0001>

<sc_bundles>
// kernel: kernel.3.cloned.1.call-start
scs
__scs_entry_jumppad:
0x0: {  	(pc) =	sbr.rel $0x88, $3  }
0x1: {  	(tag) =	ssettag $0x0;
	lr =	simm.s32 $0x1  }
0x2: {  	[smem:$0x3F9B] =	sst lr;
	_ =	strace $0xD0000000  }
0x3: {  	_ = 	snop  }
0x4: {  	_ = 	snop  }
0x5: {  	_ = 	snop  }
0x6: {  	_ = 	snop  }
0x7: {  	_ = 	snop  }
__scs_overlays_trampoline_lowered:
0x8: {  	[smem:$0x3FAA] =	sst s0  }
0x9: {  	[smem:$0x3FAB] =	sst s1  }
0xa: {  	[smem:$0x3FAC] =	sst s2  }
0xb: {  	[smem:$0x3FAD] =	sst s3  }
0xc: {  	[smem:$0x3FAE] =	sst s4  }
0xd: {  	[smem:$0x3FAF] =	sst s5  }
0xe: {  	[smem:$0x3FB0] =	sst s6  }
0xf: {  	[smem:$0x3FB1] =	sst s7  }
0x10: {  	[smem:$0x3FB2] =	sst s8  }
0x11: {  	[smem:$0x3FB3] =	sst s9;
	s0 =	simm.s32 @!p0 $0x0  }
0x12: {  	s1 =	sld [smem:$0x3F99];
	s0 =	simm.s32 @p0 $0x1  }
0x13: {  	[smem:$0x3FB4] =	sst s0;
	s0 =	simm.s32 @!p1 $0x0  }
0x14: {  	s2 =	sld [smem:$0x3F98];
	s0 =	simm.s32 @p1 $0x1  }
0x15: {  	[smem:$0x3FB5] =	sst s0;
	s0 =	simm.s32 @!p2 $0x0  }
0x16: {  	s3 =	sld [smem:$0x3FDB];
	s0 =	simm.s32 @p2 $0x1  }
0x17: {  	s4 =	simm.s32 $0x1BF5;
	[smem:$0x3FB7] =	sst s0  }
0x18: {  	s0 =	sld [smem:$0x3F9A];
	_ =	swait.ge [sflag:s4], $0x0  }
0x19: {  	s7 =	sld [smem:$0x3F9B]  }
0x1a: {  	s8 =	sadd.s32 $0xFFFFE003, lr  }
0x1b: {  	s9 =	sadd.s32 $0xFFFFFEF7, lr;
	s5 =	simm.s32 $0xFFFFFFFF;
	p2 =	slt.u32 s8, $0xFFFFF086  }
0x1c: {  	p1 =	slt.u32 s9, $0xF7A;
	s5 =	simm.s32 @!p2 $0x0  }
0x1d: {  	s5 =	simm.s32 @p1 $0x1;
	p0 =	seq.s32 s7, s2  }
0x1e: {  	s7 =	smul.u32 @!p0 $0xF7A, s2;
	p2 =	seq.s32 @!p0 s5, $0x0  }
0x1f: {  	s9 =	smul.u32 $0xF7A, s1;
	s8 =	simm.s32 @!p0 $0x1BF5;
	p2 =	por !p2, p0  }
0x20: {  	[sflag:s8] =	ssyncset.s32 @!p0 $0xFFFFF086;
	s6 =	sadd.s32 @!p0 s3, s7;
	s7 =	simm.s32 @!p0 $0x108  }
0x21: {  	s3 =	sadd.s32 s3, s9;
	s6 =	sadd.s32 @!p0 $0x88, s6;
	s7 =	simm.s32 @p2 $0x1082  }
0x22: {  	[simem:s7], [sflag:s8] =	dma.local @!p0 [hbm:s6], $0xF7A  }
0x23: {  	s9 =	sor.u32 $0xD0000000, s2;
	s6 =	simm.s32 $0x108;
	_ =	swait.ge @!p0 [sflag:s8], $0x0  }
0x24: {  	s3 =	sadd.s32 $0x88, s3;
	s6 =	simm.s32 @!p1 $0x1082;
	[sflag:s4] =	ssyncset.s32 $0xFFFFF086  }
0x25: {  	[simem:s6], [sflag:s4] =	dma.local [hbm:s3], $0xF7A  }
0x26: {  	[smem:$0x3F9B] =	sst s1;
	(tag) =	ssettag s2;
	_ =	strace s9  }
0x27: {  	s1 =	sld [smem:$0x3FAB]  }
0x28: {  	s2 =	sld [smem:$0x3FAC]  }
0x29: {  	s4 =	sld [smem:$0x3FAE]  }
0x2a: {  	p0 =	seq.s32 s5, $0x0;
	s5 =	sld [smem:$0x3FAF]  }
0x2b: {  	s6 =	sld [smem:$0x3FB0]  }
0x2c: {  	s7 =	sld [smem:$0x3FB1]  }
0x2d: {  	s3 =	simm.s32 $0x108;
	s8 =	sld [smem:$0x3FB2]  }
0x2e: {  	s3 =	simm.s32 @!p0 $0x1082;
	s9 =	sld [smem:$0x3FB3]  }
0x2f: {  	lr =	sadd.s32 s0, s3;
	s0 =	sld [smem:$0x3FAA]  }
0x30: {  	s3 =	sld [smem:$0x3FAD]  }
0x31: {  	[smem:$0x3FB6] =	sst s10  }
0x32: {  	s10 =	sld [smem:$0x3FB4];
	_ =	sdelay $0x3  }
0x33: {  	p0 =	seq.s32 s10, $0x1;
	s10 =	sld [smem:$0x3FB6];
	_ =	sdelay $0x3  }
0x34: {  	[smem:$0x3FB6] =	sst s10  }
0x35: {  	s10 =	sld [smem:$0x3FB5];
	_ =	sdelay $0x3  }
0x36: {  	p1 =	seq.s32 s10, $0x1;
	s10 =	sld [smem:$0x3FB6];
	_ =	sdelay $0x3  }
0x37: {  	[smem:$0x3FB6] =	sst s10  }
0x38: {  	s10 =	sld [smem:$0x3FB7]  }
0x39: {  	_ = 	snop;
	(pc) =	sbr.ind lr, $3  }
0x3a: {  	_ = 	snop  }
0x3b: {  	_ = 	snop  }
0x3c: {  	p2 =	seq.s32 s10, $0x1;
	s10 =	sld [smem:$0x3FB6]  }
0x3d: {  	_ =	shalt  }
0x3e: {  	_ =	shalt  }
0x3f: {  	_ =	shalt  }
0x40: {  	_ =	shalt  }
0x41: {  	_ =	shalt  }
0x42: {  	_ =	shalt  }
0x43: {  	_ =	shalt  }
0x44: {  	_ =	shalt  }
0x45: {  	_ =	shalt  }
0x46: {  	_ =	shalt  }
0x47: {  	_ =	shalt  }
0x48: {  	_ =	shalt  }
0x49: {  	_ =	shalt  }
0x4a: {  	_ =	shalt  }
0x4b: {  	_ =	shalt  }
0x4c: {  	_ =	shalt  }
0x4d: {  	_ =	shalt  }
0x4e: {  	_ =	shalt  }
0x4f: {  	_ =	shalt  }
0x50: {  	_ =	shalt  }
0x51: {  	_ =	shalt  }
0x52: {  	_ =	shalt  }
0x53: {  	_ =	shalt  }
0x54: {  	_ =	shalt  }
0x55: {  	_ =	shalt  }
0x56: {  	_ =	shalt  }
0x57: {  	_ =	shalt  }
0x58: {  	_ =	shalt  }
0x59: {  	_ =	shalt  }
0x5a: {  	_ =	shalt  }
0x5b: {  	_ =	shalt  }
0x5c: {  	_ =	shalt  }
0x5d: {  	_ =	shalt  }
0x5e: {  	_ =	shalt  }
0x5f: {  	_ =	shalt  }
0x60: {  	_ =	shalt  }
0x61: {  	_ =	shalt  }
0x62: {  	_ =	shalt  }
0x63: {  	_ =	shalt  }
0x64: {  	_ =	shalt  }
0x65: {  	_ =	shalt  }
0x66: {  	_ =	shalt  }
0x67: {  	_ =	shalt  }
0x68: {  	_ =	shalt  }
0x69: {  	_ =	shalt  }
0x6a: {  	_ =	shalt  }
0x6b: {  	_ =	shalt  }
0x6c: {  	_ =	shalt  }
0x6d: {  	_ =	shalt  }
0x6e: {  	_ =	shalt  }
0x6f: {  	_ =	shalt  }
0x70: {  	_ =	shalt  }
0x71: {  	_ =	shalt  }
0x72: {  	_ =	shalt  }
0x73: {  	_ =	shalt  }
0x74: {  	_ =	shalt  }
0x75: {  	_ =	shalt  }
0x76: {  	_ =	shalt  }
0x77: {  	_ =	shalt  }
0x78: {  	_ =	shalt  }
0x79: {  	_ =	shalt  }
0x7a: {  	_ =	shalt  }
0x7b: {  	_ =	shalt  }
0x7c: {  	_ =	shalt  }
0x7d: {  	_ =	shalt  }
0x7e: {  	_ =	shalt  }
0x7f: {  	_ =	shalt  }
0x80: {  	_ =	shalt  }
0x81: {  	_ =	shalt  }
0x82: {  	_ =	shalt  }
0x83: {  	_ =	shalt  }
0x84: {  	_ =	shalt  }
0x85: {  	_ =	shalt  }
0x86: {  	_ =	shalt  }
0x87: {  	_ =	shalt  }
.Lfunc_end0:
.L_simem_size_0:
called_computation_lowered:
.L_overlay_start_0:
0x88: {  	s0 =	sld [smem:$0x3FD9]  }
0x89: {  	s1 =	sld [smem:$0x3FFE];
	_ =	sdelay $0x3  }
0x8a: {  	s0 =	sadd.s32 s1, s0  }
0x8b: {  	[smem:$0x3FC2] =	sst s0  }
0x8c: {  	_ = 	snop  }
0x8d: {  	s0 =	sld [smem:$0x3FC9]  }
0x8e: {  	s16 =	sld [smem:$0x3FC8]  }
0x8f: {  	s2 =	sld [smem:$0x3FC6]  }
0x90: {  	s3 =	sld [smem:$0x3FC5]  }
0x91: {  	s4 =	sld [smem:$0x3FC4]  }
0x92: {  	s5 =	sld [smem:$0x3FD0];
	(tm) =	ssettm $0x1  }
0x93: {  	s6 =	sld [smem:$0x3FFB];
	_ =	sdelay $0x3  }
0x94: {  	_ =	strace s6  }
0x95: {  	s6 =	sld [smem:$0x3FFC];
	_ =	sdelay $0x3  }
0x96: {  	_ =	strace s6  }
0x97: {  	s6 =	sld [smem:$0x3FFD];
	_ =	sdelay $0x3  }
0x98: {  	_ =	strace s6  }
0x99: {  	_ =	strace $0x8FFFFFFF  }
0x9a: {  	s17 =	sld [smem:$0x3FDB];
	_ =	sdelay $0x1  }
0x9b: {  	s7 =	simm.s32 $_scs_section_size  }
0x9c: {  	s8 =	simm.s32 $_size__tile_overlayer_lowered;
	s9 =	simm.s32 $_tile_overlayer_lowered  }
0x9d: {  	s20 =	simm.s32 $0x1BFF;
	s19 =	sshll.u32 s9, $0x1;
	s6 =	sadd.s32 s7, s17  }
0x9e: {  	s10 =	simm.s32 $0x0;
	s18 =	sshll.u32 s8, $0x1;
	s8 =	sadd.s32 s19, s6  }
0x9f: {  	[timem:s10], [sflag:s20] =	dma.local [hbm:s8], s18  }
0xa0: {  	_ =	swait.ge [sflag:s20], s18  }
0xa1: {  	s7 =	ssub.s32 $0x0, s18;
	[sflag:s20] =	ssyncset.done $0x0  }
0xa2: {  	[sflag:s20] =	ssyncadd.s32 s7;
	_ =	sdelay $0x1  }
0xa3: {  	s21 =	simm.s32 $0x1B8B  }
0xa4: {  	_ =	swait.ge [sflag:s21], $0x1  }
0xa5: {  	[sflag:s21] =	ssyncset.done $0x0  }
0xa6: {  	s23 =	simm.s32 $0x1B8E;
	s22 =	sld [smem:$0x3FFE];
	[sflag:s21] =	ssyncadd.s32 $0xFFFFFFFF  }
0xa7: {  	s24 =	simm.s32 $execute0_lowered;
	[smem:$0x3FD2] =	sst s23  }
0xa8: {  	s8 =	sshll.u32 s24, $0x1;
	_ =	strace $0x80000046;
	[dreg:$0x1] =	wrdreg $0xFFFFFFFF  }
0xa9: {  	s25 =	simm.s32 $_size_execute0_lowered;
	s6 =	sadd.s32 s6, s8;
	[dreg:$0x0] =	wrdreg $0x0  }
0xaa: {  	s8 =	sshll.u32 s25, $0x1;
	[dreg:$0x2] =	wrdreg s6  }
0xab: {  	[dreg:$0x3] =	wrdreg s8  }
0xac: {  	[dreg:$0x4] =	wrdreg $0xC0  }
0xad: {  	_ =	task [dreg:s10], $0x5FFFF  }
0xae: {  	[dreg:$0x1] =	wrdreg $0xFFFFFFFF  }
0xaf: {  	[dreg:$0x0] =	wrdreg $0x60  }
0xb0: {  	[dreg:$0x2] =	wrdreg s0  }
0xb1: {  	[dreg:$0x3] =	wrdreg s16  }
0xb2: {  	[dreg:$0x4] =	wrdreg s22  }
0xb3: {  	[dreg:$0x5] =	wrdreg s2  }
0xb4: {  	[dreg:$0x6] =	wrdreg s3  }
0xb5: {  	[dreg:$0x7] =	wrdreg s4  }
0xb6: {  	[dreg:$0x8] =	wrdreg s5  }
0xb7: {  	[dreg:$0x9] =	wrdreg $0x9  }
0xb8: {  	_ =	task.clear_ibuf [dreg:s10], $0xAFFFF;
	_ =	strace $0x90000046  }
0xb9: {  	s26 =	simm.s32 $0x9;
	_ =	strace $0x80000048  }
0xba: {  	_ =	swait.ge [sflag:s26], $0x1  }
0xbb: {  	[sflag:s26] =	ssyncadd.s32 $0xFFFFFFFF  }
0xbc: {  	_ =	strace $0x90000048  }
0xbd: {  	_ =	sfence  }
0xbe: {  	s28 =	sld [smem:$0x0];
	_ =	sdelay $0x1  }
0xbf: {  	s29 =	srdreg.scid  }
0xc0: {  	s30 =	sshll.u32 s29, $0xD;
	s31 =	sshrl.u32 s29, $0x2  }
0xc1: {  	s1 =	sand.u32 $0x1, s29;
	s2 =	sand.u32 $0x4000, s30;
	s0 =	sadd.s32 s31, s28  }
0xc2: {  	s1 =	sor.u32 s2, s1;
	s0 =	sshll.u32 s0, $0x11  }
0xc3: {  	s0 =	sor.u32 s0, s1  }
0xc4: {  	s0 =	sadd.s32 $0x8F2B, s0  }
0xc5: {  	[sflag:s0] =	ssyncadd.remote.s32 $0x1  }
0xc6: {  	_ =	sfence.sel $0xFFFF  }
0xc7: {  	[dreg:$0x0] =	wrdreg $0xFFFFFFFF;
	(pc) =	sbr.abs _section_cstart, $3  }
0xc8: {  	[dreg:$0x1] =	wrdreg $0xFFFFFFFF  }
0xc9: {  	_ =	task.clear_ibuf [dreg:s10], $0x2FFFF;
	_ =	strace $0x9FFFFFFF  }
0xca: {  	(tm) =	ssettm $0x7FFFFFFF  }
0xcb: {  	_ =	shalt  }
tec
execute0_lowered:
.L_overlay_start_1:
0x0: {  	(tag) =	ssettag $0x1  }
0x1: {  	s8 =	rddreg [dreg:$0x0]  }
0x2: {  	s4 =	rddreg [dreg:$0x1]  }
0x3: {  	s3 =	rddreg [dreg:$0x2];
	s1 =	stileid.u32  }
0x4: {  	s5 =	rddreg [dreg:$0x3];
	p0 =	sgt.u32 s1, $0x7  }
.Ltmp0:
0x5: {  	s7 =	rddreg [dreg:$0x4];
	(pc) =	sbr.rel @p0 .LBB2_8-.Ltmp0, $4  }
0x6: {  	s6 =	rddreg [dreg:$0x5]  }
0x7: {  	s2 =	rddreg [dreg:$0x6];
	s9 =	simm.s32 $0x0  }
0x8: {  	[smem:$0x7FF] =	sst s9  }
0x9: {  	s0 =	rddreg [dreg:$0x7];
	_ =	strace $0x80000047  }
0xa: {  	p0 =	sgt.u32 s1, $0x1  }
.Ltmp1:
0xb: {  	_ = 	snop;
	(pc) =	sbr.rel @p0 .LBB2_3-.Ltmp1, $1  }
0xc: {  	_ =	sdelay $0x3  }
0xd: {  	s4 =	sshll.u32 s1, $0x1  }
0xe: {  	s5 =	simm.s32 $0x0;
	s28 =	simm.s32 $0x2;
	s4 =	sadd.s32 s8, s4  }
0xf: {  	[tilespmem:s5], [sflag:$0x2] =	stream.linear.gather [hbm4b:s4+s5], $0x10, $0x38;
	[tilespmem:$0x1D00] =	vst v63  }
0x10: {  	_ =	swait.ge [sflag:s28], $0x10  }
0x11: {  	[sflag:s28] =	ssyncset.done $0x0  }
0x12: {  	s6 =	sshll.u32 s1, $0x4;
	[sflag:s28] =	ssyncadd.s32 $0xFFFFFFF0  }
0x13: {  	v0 =	vmov s6;
	v1 =	vld [tilespmem:$0x0]  }
0x14: {  	v0 =	vmul.u32 $0x3, v0;
	_ =	sdelay $0x1  }
0x15: {  	v2 =	vlaneseq.u32;
	v0 =	vbroadcast v0, $0x0  }
0x16: {  	v3 =	vmul.u32 $0x3, v2  }
0x17: {  	v0 =	vadd.s32 v1, v0  }
0x18: {  	v0 =	vadd.s32 v3, v0  }
0x19: {  	v61 =	vshll.u32 v0, $0x1  }
0x1a: {  	v0 =	vand.u32 $0x7, v0;
	v1 =	vand.u32 $0xFFFFFFF0, v61  }
0x1b: {  	v62 =	vand.u32 $0x7, v2;
	v63 =	vshrl.u32 v2, $0x3;
	v0 =	vor.u32 v0, v1  }
0x1c: {  	v3 =	vmul.u32 $0x8, v63;
	v1 =	vperm.xlane v0, v62  }
0x1d: {  	v2 =	vor.u32 $0x8, v2  }
0x1e: {  	v0 =	vperm.xlane v0, v2;
	v1 =	vadd.s32 v3, v1;
	_ =	sdelay $0x1  }
0x1f: {  	v0 =	vadd.s32 v3, v0;
	_ =	sdelay $0x1  }
0x20: {  	s3 =	sadd.s32 $0x400, s3;
	vm0 =	vmmov $0xffff;
	s29 =	simm.s32 $0x80  }
0x21: {  	[tilespmem:s29], [sflag:$0x1] =	stream.indirect_vreg.gather [hbm4b:s3+s5], $0x80, v1, vm0, $0xb8;
	[tilespmem:$0x1D00] =	vst v63  }
0x22: {  	s7 =	simm.s32 $0x880;
	s30 =	simm.s32 $0x1  }
0x23: {  	[tilespmem:s7], [sflag:$0x1] =	stream.indirect_vreg.gather [hbm4b:s3+s5], $0x80, v0, vm0, $0xb8;
	[tilespmem:$0x1D00] =	vst v63  }
0x24: {  	_ =	swait.ge [sflag:s30], $0x1000  }
0x25: {  	s31 =	sshll.u32 s1, $0x9;
	[sflag:s30] =	ssyncset.done $0x0  }
.Ltmp2:
0x26: {  	s2 =	sadd.s32 s2, s31;
	[sflag:s30] =	ssyncadd.s32 $0xFFFFF000;
	(pc) =	sbr.rel .LBB2_8-.Ltmp2, $4  }
0x27: {  	[hbm4b:s2+s5] =	stream.linear.scatter [tilespmem:s29], [sflag:$0x2], $0x1000, $0x38;
	[tilespmem:$0x1D00] =	vst v63  }
0x28: {  	_ =	swait.ge [sflag:s28], $0x1000  }
0x29: {  	[sflag:s28] =	ssyncset.done $0x0  }
0x2a: {  	[sflag:s28] =	ssyncadd.s32 $0xFFFFF000  }
.LBB2_3:
0x2b: {  	s3 =	sadd.s32 $0xFFFFFFFE, s1  }
0x2c: {  	p0 =	sgt.u32 s3, $0x3  }
.Ltmp3:
0x2d: {  	_ = 	snop;
	(pc) =	sbr.rel @p0 .LBB2_7-.Ltmp3, $1  }
0x2e: {  	_ =	sdelay $0x3  }
0x2f: {  	s3 =	sshll.u32 s1, $0x3  }
0x30: {  	s3 =	sadd.s32 $0xFFFFFFF0, s3  }
0x31: {  	s5 =	sshll.u32 s3, $0x4  }
0x32: {  	s8 =	simm.s32 $0x0;
	s9 =	simm.s32 $0x1480;
	s7 =	sadd.s32 s7, s5  }
0x33: {  	[tilespmem:s9], [sflag:$0x1] =	stream.linear.gather [hbm4b:s7+s8], $0x400, $0x38;
	[tilespmem:$0x1D00] =	vst v63  }
0x34: {  	s25 =	simm.s32 $0x1880;
	s3 =	sshrl.u32 s3, $0x3;
	s5 =	sadd.s32 s6, s5  }
0x35: {  	[tilespmem:s25], [sflag:$0x1] =	stream.linear.gather [hbm4b:s5+s8], $0x400, $0x38;
	[tilespmem:$0x1D00] =	vst v63  }
0x36: {  	s26 =	simm.s32 $0x1C80;
	s28 =	simm.s32 $0x1;
	s3 =	sadd.s32 s4, s3  }
0x37: {  	[tilespmem:s26], [sflag:$0x1] =	stream.linear.gather [hbm4b:s3+s8], $0x8, $0x38;
	[tilespmem:$0x1D00] =	vst v63  }
0x38: {  	_ =	swait.ge [sflag:s28], $0x400  }
0x39: {  	[sflag:s28] =	ssyncset.done $0x0  }
0x3a: {  	[sflag:s28] =	ssyncadd.s32 $0xFFFFFC00  }
0x3b: {  	_ =	swait.ge [sflag:s28], $0x400  }
0x3c: {  	[sflag:s28] =	ssyncset.done $0x0  }
0x3d: {  	[sflag:s28] =	ssyncadd.s32 $0xFFFFFC00  }
0x3e: {  	_ =	swait.ge [sflag:s28], $0x8  }
0x3f: {  	[sflag:s28] =	ssyncset.done $0x0  }
0x40: {  	[sflag:s28] =	ssyncadd.s32 $0xFFFFFFF8  }
0x41: {  	v0 =	vld [tilespmem:$0x1C80]  }
0x42: {  	s29 =	simm.s32 $0x14C0  }
0x43: {  	v1 =	vld [tilespmem:s29+$0xFFFFFFC0]  }
0x44: {  	s30 =	simm.s32 $0x18C0  }
0x45: {  	v3 =	vmov s8;
	v2 =	vld [tilespmem:s30+$0xFFFFFFC0]  }
0x46: {  	v3 =	vperm.xlane v0, v3;
	_ =	sdelay $0x1  }
0x47: {  	v1 =	vmul.f32 v1, v3;
	_ =	sdelay $0x1  }
0x48: {  	v1 =	vadd.f32 v2, v1  }
0x49: {  	s3 =	simm.s32 $0x10C0  }
0x4a: {  	[tilespmem:s3+$0xFFFFFFC0] =	vst v1  }
0x4b: {  	v1 =	vld [tilespmem:s29+$0xFFFFFFD0];
	_ =	sdelay $0x1  }
0x4c: {  	v2 =	vld [tilespmem:s30+$0xFFFFFFD0];
	_ =	sdelay $0x2  }
0x4d: {  	v1 =	vmul.f32 v1, v3;
	_ =	sdelay $0x1  }
0x4e: {  	v1 =	vadd.f32 v2, v1;
	_ =	sdelay $0x1  }
0x4f: {  	[tilespmem:s3+$0xFFFFFFD0] =	vst v1  }
0x50: {  	v1 =	vld [tilespmem:s29+$0xFFFFFFE0];
	_ =	sdelay $0x1  }
0x51: {  	v2 =	vld [tilespmem:s30+$0xFFFFFFE0];
	_ =	sdelay $0x2  }
0x52: {  	v1 =	vmul.f32 v1, v3;
	_ =	sdelay $0x1  }
0x53: {  	v1 =	vadd.f32 v2, v1;
	_ =	sdelay $0x1  }
0x54: {  	[tilespmem:s3+$0xFFFFFFE0] =	vst v1  }
0x55: {  	v1 =	vld [tilespmem:s29+$0xFFFFFFF0];
	_ =	sdelay $0x1  }
0x56: {  	v2 =	vld [tilespmem:s30+$0xFFFFFFF0];
	_ =	sdelay $0x2  }
0x57: {  	v1 =	vmul.f32 v1, v3;
	_ =	sdelay $0x1  }
0x58: {  	v1 =	vadd.f32 v2, v1;
	_ =	sdelay $0x1  }
0x59: {  	[tilespmem:s3+$0xFFFFFFF0] =	vst v1  }
0x5a: {  	v1 =	vld [tilespmem:s29+$0x0];
	_ =	sdelay $0x1  }
0x5b: {  	v2 =	vld [tilespmem:s30+$0x0];
	_ =	sdelay $0x2  }
0x5c: {  	v1 =	vmul.f32 v1, v3;
	_ =	sdelay $0x1  }
0x5d: {  	v1 =	vadd.f32 v2, v1;
	_ =	sdelay $0x1  }
0x5e: {  	[tilespmem:s3+$0x0] =	vst v1  }
0x5f: {  	v1 =	vld [tilespmem:s29+$0x10];
	_ =	sdelay $0x1  }
0x60: {  	v2 =	vld [tilespmem:s30+$0x10];
	_ =	sdelay $0x2  }
0x61: {  	v1 =	vmul.f32 v1, v3;
	_ =	sdelay $0x1  }
0x62: {  	v1 =	vadd.f32 v2, v1;
	_ =	sdelay $0x1  }
0x63: {  	[tilespmem:s3+$0x10] =	vst v1  }
0x64: {  	v1 =	vld [tilespmem:s29+$0x20];
	_ =	sdelay $0x1  }
0x65: {  	v2 =	vld [tilespmem:s30+$0x20];
	_ =	sdelay $0x2  }
0x66: {  	v1 =	vmul.f32 v1, v3;
	_ =	sdelay $0x1  }
0x67: {  	v1 =	vadd.f32 v2, v1;
	_ =	sdelay $0x1  }
0x68: {  	[tilespmem:s3+$0x20] =	vst v1  }
0x69: {  	v1 =	vld [tilespmem:s29+$0x30];
	_ =	sdelay $0x1  }
0x6a: {  	v2 =	vld [tilespmem:s30+$0x30];
	_ =	sdelay $0x2  }
0x6b: {  	v1 =	vmul.f32 v1, v3;
	_ =	sdelay $0x1  }
0x6c: {  	s31 =	sshll.u32 s1, $0x8;
	v1 =	vadd.f32 v2, v1  }
0x6d: {  	s2 =	sadd.s32 s31, s2  }
0x6e: {  	s2 =	sadd.s32 $0x280, s2;
	s4 =	simm.s32 $0x1540;
	[tilespmem:s3+$0x30] =	vst v1  }
0x6f: {  	s6 =	simm.s32 $0x1;
	s7 =	simm.s32 $0x2;
	s5 =	simm.s32 $0x1940;
	v1 =	vld [tilespmem:s4+$0xFFFFFFC0]  }
.LBB2_5:
0x70: {  	p0 =	sne.s32 s7, $0x7;
	v2 =	vld [tilespmem:s5+$0xFFFFFFC0]  }
0x71: {  	v3 =	vmov s6;
	s6 =	smov.u32 s7  }
0x72: {  	v3 =	vperm.xlane v0, v3;
	_ =	sdelay $0x1  }
0x73: {  	v1 =	vmul.f32 v1, v3;
	_ =	sdelay $0x1  }
0x74: {  	v1 =	vadd.f32 v2, v1  }
0x75: {  	s3 =	sadd.s32 $0x80, s3  }
0x76: {  	[tilespmem:s3+$0xFFFFFFC0] =	vst v1  }
0x77: {  	v1 =	vld [tilespmem:s4+$0xFFFFFFD0];
	_ =	sdelay $0x1  }
0x78: {  	v2 =	vld [tilespmem:s5+$0xFFFFFFD0];
	_ =	sdelay $0x2  }
0x79: {  	v1 =	vmul.f32 v1, v3;
	_ =	sdelay $0x1  }
0x7a: {  	v1 =	vadd.f32 v2, v1;
	_ =	sdelay $0x1  }
0x7b: {  	[tilespmem:s3+$0xFFFFFFD0] =	vst v1  }
0x7c: {  	v1 =	vld [tilespmem:s4+$0xFFFFFFE0];
	_ =	sdelay $0x1  }
0x7d: {  	v2 =	vld [tilespmem:s5+$0xFFFFFFE0];
	_ =	sdelay $0x2  }
0x7e: {  	v1 =	vmul.f32 v1, v3;
	_ =	sdelay $0x1  }
0x7f: {  	v1 =	vadd.f32 v2, v1;
	_ =	sdelay $0x1  }
0x80: {  	[tilespmem:s3+$0xFFFFFFE0] =	vst v1  }
0x81: {  	v1 =	vld [tilespmem:s4+$0xFFFFFFF0];
	_ =	sdelay $0x1  }
0x82: {  	v2 =	vld [tilespmem:s5+$0xFFFFFFF0];
	_ =	sdelay $0x2  }
0x83: {  	v1 =	vmul.f32 v1, v3;
	_ =	sdelay $0x1  }
0x84: {  	v1 =	vadd.f32 v2, v1;
	_ =	sdelay $0x1  }
0x85: {  	[tilespmem:s3+$0xFFFFFFF0] =	vst v1  }
0x86: {  	v1 =	vld [tilespmem:s4+$0x0];
	_ =	sdelay $0x1  }
0x87: {  	v2 =	vld [tilespmem:s5+$0x0];
	_ =	sdelay $0x2  }
0x88: {  	v1 =	vmul.f32 v1, v3;
	_ =	sdelay $0x1  }
0x89: {  	v1 =	vadd.f32 v2, v1;
	_ =	sdelay $0x1  }
0x8a: {  	[tilespmem:s3+$0x0] =	vst v1  }
0x8b: {  	v1 =	vld [tilespmem:s4+$0x10];
	_ =	sdelay $0x1  }
0x8c: {  	v2 =	vld [tilespmem:s5+$0x10];
	_ =	sdelay $0x2  }
0x8d: {  	v1 =	vmul.f32 v1, v3;
	_ =	sdelay $0x1  }
0x8e: {  	v1 =	vadd.f32 v2, v1;
	_ =	sdelay $0x1  }
0x8f: {  	[tilespmem:s3+$0x10] =	vst v1  }
0x90: {  	v1 =	vld [tilespmem:s4+$0x20]  }
0x91: {  	v2 =	vld [tilespmem:s5+$0x20];
	_ =	sdelay $0x3  }
0x92: {  	v1 =	vmul.f32 v1, v3;
	_ =	sdelay $0x1  }
0x93: {  	v1 =	vadd.f32 v2, v1;
	_ =	sdelay $0x1  }
0x94: {  	[tilespmem:s3+$0x20] =	vst v1  }
0x95: {  	v1 =	vld [tilespmem:s4+$0x30]  }
0x96: {  	v2 =	vld [tilespmem:s5+$0x30];
	_ =	sdelay $0x3  }
0x97: {  	v1 =	vmul.f32 v1, v3  }
.Ltmp4:
0x98: {  	(pc) =	sbr.rel @p0 .LBB2_5-.Ltmp4, $3  }
0x99: {  	v1 =	vadd.f32 v2, v1;
	_ =	sdelay $0x1  }
0x9a: {  	s4 =	sadd.s32 $0x80, s4;
	[tilespmem:s3+$0x30] =	vst v1  }
0x9b: {  	s7 =	sadd.s32 $0x1, s7;
	s5 =	sadd.s32 $0x80, s5;
	v1 =	vld [tilespmem:s4+$0xFFFFFFC0]  }
0x9c: {  	_ = 	snop  }
0x9d: {  	v2 =	vld [tilespmem:s5+$0xFFFFFFC0];
	v3 =	vmov s6  }
0x9e: {  	v0 =	vperm.xlane v0, v3;
	_ =	sdelay $0x1  }
0x9f: {  	v1 =	vmul.f32 v1, v0;
	_ =	sdelay $0x1  }
0xa0: {  	v1 =	vadd.f32 v2, v1  }
0xa1: {  	s3 =	sadd.s32 $0x80, s3  }
0xa2: {  	[tilespmem:s3+$0xFFFFFFC0] =	vst v1  }
0xa3: {  	v1 =	vld [tilespmem:s4+$0xFFFFFFD0];
	_ =	sdelay $0x1  }
0xa4: {  	v57 =	vld [tilespmem:s5+$0xFFFFFFD0];
	_ =	sdelay $0x2  }
0xa5: {  	v1 =	vmul.f32 v1, v0;
	_ =	sdelay $0x1  }
0xa6: {  	v1 =	vadd.f32 v57, v1;
	_ =	sdelay $0x1  }
0xa7: {  	[tilespmem:s3+$0xFFFFFFD0] =	vst v1  }
0xa8: {  	v1 =	vld [tilespmem:s4+$0xFFFFFFE0];
	_ =	sdelay $0x1  }
0xa9: {  	v58 =	vld [tilespmem:s5+$0xFFFFFFE0];
	_ =	sdelay $0x2  }
0xaa: {  	v1 =	vmul.f32 v1, v0;
	_ =	sdelay $0x1  }
0xab: {  	v1 =	vadd.f32 v58, v1;
	_ =	sdelay $0x1  }
0xac: {  	[tilespmem:s3+$0xFFFFFFE0] =	vst v1  }
0xad: {  	v1 =	vld [tilespmem:s4+$0xFFFFFFF0];
	_ =	sdelay $0x1  }
0xae: {  	v59 =	vld [tilespmem:s5+$0xFFFFFFF0];
	_ =	sdelay $0x2  }
0xaf: {  	v1 =	vmul.f32 v1, v0;
	_ =	sdelay $0x1  }
0xb0: {  	v1 =	vadd.f32 v59, v1;
	_ =	sdelay $0x1  }
0xb1: {  	[tilespmem:s3+$0xFFFFFFF0] =	vst v1  }
0xb2: {  	v1 =	vld [tilespmem:s4+$0x0];
	_ =	sdelay $0x1  }
0xb3: {  	v60 =	vld [tilespmem:s5+$0x0];
	_ =	sdelay $0x2  }
0xb4: {  	v1 =	vmul.f32 v1, v0;
	_ =	sdelay $0x1  }
0xb5: {  	v1 =	vadd.f32 v60, v1;
	_ =	sdelay $0x1  }
0xb6: {  	[tilespmem:s3+$0x0] =	vst v1  }
0xb7: {  	v1 =	vld [tilespmem:s4+$0x10];
	_ =	sdelay $0x1  }
0xb8: {  	v61 =	vld [tilespmem:s5+$0x10];
	_ =	sdelay $0x2  }
0xb9: {  	v1 =	vmul.f32 v1, v0;
	_ =	sdelay $0x1  }
0xba: {  	v1 =	vadd.f32 v61, v1;
	_ =	sdelay $0x1  }
0xbb: {  	[tilespmem:s3+$0x10] =	vst v1  }
0xbc: {  	v1 =	vld [tilespmem:s4+$0x20];
	_ =	sdelay $0x1  }
0xbd: {  	v62 =	vld [tilespmem:s5+$0x20];
	_ =	sdelay $0x2  }
0xbe: {  	v1 =	vmul.f32 v1, v0;
	_ =	sdelay $0x1  }
0xbf: {  	v1 =	vadd.f32 v62, v1;
	_ =	sdelay $0x1  }
0xc0: {  	[tilespmem:s3+$0x20] =	vst v1  }
0xc1: {  	v1 =	vld [tilespmem:s4+$0x30];
	_ =	sdelay $0x1  }
0xc2: {  	v63 =	vld [tilespmem:s5+$0x30];
	_ =	sdelay $0x2  }
0xc3: {  	v0 =	vmul.f32 v1, v0;
	_ =	sdelay $0x1  }
0xc4: {  	v0 =	vadd.f32 v63, v0  }
0xc5: {  	s29 =	simm.s32 $0x0  }
.Ltmp5:
0xc6: {  	s30 =	simm.s32 $0x1080;
	s31 =	simm.s32 $0x2;
	[tilespmem:s3+$0x30] =	vst v0;
	(pc) =	sbr.rel .LBB2_8-.Ltmp5, $4  }
0xc7: {  	[hbm4b:s2+s29] =	stream.linear.scatter [tilespmem:s30], [sflag:$0x2], $0x400, $0x38;
	[tilespmem:$0x1D00] =	vst v63  }
0xc8: {  	_ =	swait.ge [sflag:s31], $0x400  }
0xc9: {  	[sflag:s31] =	ssyncset.done $0x0  }
0xca: {  	[sflag:s31] =	ssyncadd.s32 $0xFFFFFC00  }
.LBB2_7:
0xcb: {  	p0 =	sne.s32 s1, $0x6  }
0xcc: {  	s2 =	sadd.s32 $0x400, s2;
	s3 =	simm.s32 @!p0 $0x8  }
0xcd: {  	s4 =	simm.s32 @!p0 $0x100;
	s6 =	simm.s32 @!p0 $0x80;
	s7 =	simm.s32 @!p0 $0x1D82  }
0xce: {  	[hbm:s2@s4], [sflag:s7] =	dma.strided @!p0 [hbm:s5@s6], $0x200, s3, $0x10   }
0xcf: {  	s2 =	simm.s32 @!p0 $0x2  }
0xd0: {  	_ =	swait.ge @!p0 [sflag:s2], $0x200  }
0xd1: {  	[sflag:s2] =	ssyncset.done @!p0 $0x0  }
0xd2: {  	[sflag:s2] =	ssyncadd.s32 @!p0 $0xFFFFFE00  }
.LBB2_8:
0xd3: {  	_ =	sfence.sel $0x180000  }
0xd4: {  	[bflag:$0x0] =	sbarrier.arrive $0xFFFF  }
0xd5: {  	p0 =	sne.s32 s1, $0x0;
	_ =	strace $0x90000047  }
0xd6: {  	s0 =	sadd.s32 @!p0 $0x100000, s0;
	[bflag:$0x2] =	sbarrier.arrive $0xFFFF  }
0xd7: {  	[sflag:s0] =	ssyncadd.tile.s32 @!p0 $0x1;
	_ =	shalt  }
.Lfunc_end2:
_tile_overlayer_lowered:
.L_overlay_start_2:
0xd8: {  	(tag) =	ssettag $0x2  }
0xd9: {  	s0 =	rddreg [dreg:$0x0];
	s2 =	stileid.u32  }
0xda: {  	s1 =	rddreg [dreg:$0x1];
	p0 =	sne.s32 s2, $0x0  }
0xdb: {  	s3 =	rddreg [dreg:$0x2];
	[bflag:$0x3] =	sbarrier.arrive $0xFFFF;
	s2 =	simm.s32 @!p0 $0x1C02  }
0xdc: {  	[timem:s3], [sflag:s2] =	dma.local @!p0 [hbm:s0], s1  }
0xdd: {  	s0 =	simm.s32 @!p0 $0x2  }
0xde: {  	_ =	swait.ge @!p0 [sflag:s0], s1  }
0xdf: {  	s1 =	ssub.s32 @!p0 $0x0, s1;
	[sflag:s0] =	ssyncset.done @!p0 $0x0  }
0xe0: {  	[sflag:s0] =	ssyncadd.s32 @!p0 s1  }
0xe1: {  	[bflag:$0x3] =	sbarrier.arrive $0xFFFF  }
0xe2: {  	_ =	shalt  }

</sc_bundles>
